<compile_context>
chip_gen: v7x
topology: tpu7x:2x2x1
jax: 0.10.2.dev20260603
libtpu: 0.0.44.dev20260713+nightly
codegen_flags: <defaults>
</compile_context>

<pallas_src>
import functools

import jax
import jax.numpy as jnp
from jax import lax
from jax.experimental import pallas as pl
from jax.experimental.pallas import tpu as pltpu
from jax.experimental.pallas import tpu_sc as plsc

VOCAB = 1000000
E = 32
Y = 50
B, L = 4096, 200
N = B * L
N4 = N // 4

NC, NS = 2, 16
NW = NC * NS
PER_W = N // NW
CHUNK = 512
N_CHUNKS = PER_W // CHUNK


CH_PER_L = B // CHUNK
W_CHUNKS = (L * CH_PER_L) // NW


def _gather_body(textT_hbm, table_hbm, out_hbm, idx_v, rows_v, sem):
    wid = lax.axis_index("s") * NC + lax.axis_index("c")

    def body(i, carry):
        c = wid * W_CHUNKS + i
        l = c // CH_PER_L
        b0 = (c % CH_PER_L) * CHUNK
        pltpu.sync_copy(textT_hbm.at[l, pl.ds(b0, CHUNK)], idx_v)
        pltpu.async_copy(table_hbm.at[idx_v], rows_v, sem).wait()
        pltpu.sync_copy(rows_v, out_hbm.at[pl.ds(b0, CHUNK), l, :])
        return carry

    lax.fori_loop(0, W_CHUNKS, body, 0, unroll=False)


def _sc_gather(textT, table):
    mesh = plsc.VectorSubcoreMesh(core_axis_name="c", subcore_axis_name="s")
    fn = pl.kernel(
        _gather_body,
        mesh=mesh,
        out_type=jax.ShapeDtypeStruct((B, L, E), jnp.float32),
        scratch_types=[
            pltpu.VMEM((CHUNK,), jnp.int32),
            pltpu.VMEM((CHUNK, E), jnp.float32),
            pltpu.SemaphoreType.DMA,
        ],
        compiler_params=pltpu.CompilerParams(use_tc_tiling_on_sc=False),
    )
    return fn(textT, table)


BB = 128
BB4 = BB * L // 4
G = L // 4


def _roll(x, k):
    return jnp.concatenate([x[..., k:], x[..., :k]], axis=-1)


def _tc_body(e_ref, wbd_ref, b4_ref, out_ref):
    e4 = e_ref[...]
    l4 = jnp.dot(e4, wbd_ref[...], preferred_element_type=jnp.float32)
    l4 = l4 + b4_ref[...]
    l3 = l4.reshape(BB, G, 4 * Y)
    tp = jnp.transpose(l3, (2, 1, 0))
    tp = tp.reshape(4, Y, G, BB)
    tp = jnp.transpose(tp, (1, 2, 0, 3))
    lt = tp.reshape(Y, L, BB)
    ex = jnp.exp(lt)
    s = jnp.sum(ex, axis=1, keepdims=True)
    out_ref[...] = ex * (1.0 / s)


def _tc_softmax(embeds4, wbd, b4):
    return pl.pallas_call(
        _tc_body,
        grid=(B // BB,),
        in_specs=[
            pl.BlockSpec((BB4, 128), lambda i: (i, 0)),
            pl.BlockSpec((128, 4 * Y), lambda i: (0, 0)),
            pl.BlockSpec((1, 4 * Y), lambda i: (0, 0)),
        ],
        out_specs=pl.BlockSpec((Y, L, BB), lambda i: (0, 0, i)),
        out_shape=jax.ShapeDtypeStruct((Y, L, B), jnp.float32),
    )(embeds4, wbd, b4)


def kernel(text, emb_table, W, b):
    textT = text.T.astype(jnp.int32)
    embeds = _sc_gather(textT, emb_table)
    embeds4 = embeds.reshape(N4, 128)
    wbd = jnp.zeros((128, 4 * Y), jnp.float32)
    for q in range(4):
        wbd = wbd.at[q * E:(q + 1) * E, q * Y:(q + 1) * Y].set(W.T)
    b4 = jnp.tile(b, 4).reshape(1, 4 * Y)
    outT = _tc_softmax(embeds4, wbd, b4)
    return jnp.transpose(outT, (2, 1, 0))

# --- scband reference (transcript-rebuilt; emitter-appended) ---
"""Pipeline reference for scband-tagger-9277129359511 (READ-ONLY COPY).

The authoritative reference and input builder live on the scoring server;
editing this copy changes nothing except your own understanding.
"""

import jax, jax.numpy as jnp
import numpy as np

VOCAB = 1000000
EMBED_DIM = 32
NUM_Y = 50
B, L = 4096, 200


def setup_inputs(seed: int = 0) -> dict:
    key = jax.random.key(seed)
    k_text, k_emb, k_w, k_b = jax.random.split(key, 4)
    text = jax.random.randint(k_text, (B, L), 0, VOCAB, dtype=jnp.int64 if jax.config.jax_enable_x64 else jnp.int32)
    emb_table = jax.random.normal(k_emb, (VOCAB, EMBED_DIM), dtype=jnp.float32)
    # nn.Linear default init: U(-1/sqrt(in), 1/sqrt(in))
    bound = 1.0 / np.sqrt(EMBED_DIM)
    W = jax.random.uniform(k_w, (NUM_Y, EMBED_DIM), minval=-bound, maxval=bound, dtype=jnp.float32)
    b = jax.random.uniform(k_b, (NUM_Y,), minval=-bound, maxval=bound, dtype=jnp.float32)
    return {"text": text, "emb_table": emb_table, "W": W, "b": b}


def reference(text, emb_table, W, b):
    # embedding lookup (gather)
    embeds = jnp.take(emb_table, text, axis=0)            # [B, L, E]
    logits = jnp.einsum('ble,ye->bly', embeds, W) + b      # [B, L, num_y]
    # faithful to torch: softmax over dim=1 (the sequence dimension)
    return jax.nn.softmax(logits, axis=1)

if __name__ == "__main__":
    import jax
    _d = setup_inputs()
    print(jax.jit(kernel)(*tuple(_d.values())))

</pallas_src>

<mosaic_0001>
#map = affine_map<(d0, d1) -> (0, 0)>
#map1 = affine_map<(d0, d1) -> (0, 0, 0)>
module attributes {stable_mosaic.version = 14 : i64} {
  func.func @_gather_body(%arg0: i32, %arg1: i32, %arg2: memref<200x4096xi32, #tpu.memory_space<hbm>>, %arg3: memref<1000000x32xf32, #tpu.memory_space<hbm>>, %arg4: memref<4096x200x32xf32, #tpu.memory_space<hbm>>, %arg5: memref<512xi32, #tpu.memory_space<vmem>>, %arg6: memref<512x32xf32, #tpu.memory_space<vmem>>, %arg7: memref<!tpu.dma_semaphore, #tpu.memory_space<semaphore_mem>>) attributes {dimension_semantics = [#tpu.dimension_semantics<core_parallel>, #tpu.dimension_semantics<subcore_parallel>], iteration_bounds = array<i64: 2, 16>, scalar_prefetch = 0 : i64, scratch_operands = 3 : i64, tpu.core_type = #tpu.core_type<sc_vector_subcore>, window_params = [{transform_indices = #map}, {transform_indices = #map}, {transform_indices = #map1}]} {
    %mul3A = arith.constant 2 : i32
    %mul3A_0 = arith.muli %arg1, %mul3A : i32
    %add3A = arith.addi %mul3A_0, %arg0 : i32
    %scan3A = arith.constant 0 : i32
    %scan3A_1 = arith.constant 0 : i32
    %scan3A_2 = arith.constant 50 : i32
    %scan3A_3 = arith.addi %scan3A_1, %scan3A_2 : i32
    %scan3A_4 = arith.constant 1 : i32
    scf.for %scan3A_6 = %scan3A_1 to %scan3A_3 step %scan3A_4  : i32 {
      %mul3A_7 = arith.constant 50 : i32
      %mul3A_8 = arith.muli %add3A, %mul3A_7 : i32
      %add3A_9 = arith.addi %mul3A_8, %scan3A_6 : i32
      %jit3A = arith.constant 8 : i32
      %div3A = arith.divsi %add3A_9, %jit3A : i32
      %sign3A = arith.constant 0 : i32
      %sign3A_10 = arith.cmpi sgt, %add3A_9, %sign3A : i32
      %sign3A_11 = arith.extui %sign3A_10 : i1 to i32
      %sign3A_12 = arith.constant 0 : i32
      %sign3A_13 = arith.cmpi slt, %add3A_9, %sign3A_12 : i32
      %sign3A_14 = arith.extui %sign3A_13 : i1 to i32
      %sign3A_15 = arith.subi %sign3A_11, %sign3A_14 : i32
      %sign3A_16 = arith.constant 0 : i32
      %sign3A_17 = arith.cmpi sgt, %jit3A, %sign3A_16 : i32
      %sign3A_18 = arith.extui %sign3A_17 : i1 to i32
      %sign3A_19 = arith.constant 0 : i32
      %sign3A_20 = arith.cmpi slt, %jit3A, %sign3A_19 : i32
      %sign3A_21 = arith.extui %sign3A_20 : i1 to i32
      %sign3A_22 = arith.subi %sign3A_18, %sign3A_21 : i32
      %ne3A = arith.cmpi ne, %sign3A_15, %sign3A_22 : i32
      %rem3A = arith.remsi %add3A_9, %jit3A : i32
      %ne3A_23 = arith.constant 0 : i32
      %ne3A_24 = arith.cmpi ne, %rem3A, %ne3A_23 : i32
      %and3A = arith.andi %ne3A, %ne3A_24 : i1
      %sub3A = arith.constant 1 : i32
      %sub3A_25 = arith.subi %div3A, %sub3A : i32
      %select_n3A = arith.select %and3A, %sub3A_25, %div3A : i32
      %jit3A_26 = arith.constant 8 : i32
      %eq3A = arith.constant 0 : i32
      %eq3A_27 = arith.cmpi eq, %jit3A_26, %eq3A : i32
      %jit3A_28 = arith.constant 1 : i32
      %select_n3A_29 = arith.select %eq3A_27, %jit3A_28, %jit3A_26 : i32
      %rem3A_30 = arith.remsi %add3A_9, %select_n3A_29 : i32
      %ne3A_31 = arith.constant 0 : i32
      %ne3A_32 = arith.cmpi ne, %rem3A_30, %ne3A_31 : i32
      %lt3A = arith.constant 0 : i32
      %lt3A_33 = arith.cmpi slt, %rem3A_30, %lt3A : i32
      %lt3A_34 = arith.constant 0 : i32
      %lt3A_35 = arith.cmpi slt, %select_n3A_29, %lt3A_34 : i32
      %ne3A_36 = arith.xori %lt3A_33, %lt3A_35 : i1
      %and3A_37 = arith.andi %ne3A_36, %ne3A_32 : i1
      %add3A_38 = arith.addi %rem3A_30, %select_n3A_29 : i32
      %select_n3A_39 = arith.select %and3A_37, %add3A_38, %rem3A_30 : i32
      %mul3A_40 = arith.constant 512 : i32
      %mul3A_41 = arith.muli %select_n3A_39, %mul3A_40 : i32
      "tpu.region"() ({
        %run_scoped3A = tpu.sem_alloc : memref<!tpu.dma_semaphore, #tpu.memory_space<semaphore_mem>>
        %dma_start3A_46 = tpu.memref_slice %arg2[%select_n3A, %mul3A_41] : memref<200x4096xi32, #tpu.memory_space<hbm>> -> memref<1x512xi32, #tpu.memory_space<hbm>>
        %dma_start3A_47 = tpu.memref_squeeze %dma_start3A_46 : memref<1x512xi32, #tpu.memory_space<hbm>> -> memref<512xi32, #tpu.memory_space<hbm>>
        %dma_start3A_48 = tpu.memref_slice %arg2[%select_n3A, %mul3A_41] : memref<200x4096xi32, #tpu.memory_space<hbm>> -> memref<1x512xi32, #tpu.memory_space<hbm>>
        %dma_start3A_49 = tpu.memref_squeeze %dma_start3A_48 : memref<1x512xi32, #tpu.memory_space<hbm>> -> memref<512xi32, #tpu.memory_space<hbm>>
        tpu.enqueue_dma source(%dma_start3A_49 : memref<512xi32, #tpu.memory_space<hbm>>) target(%arg5 : memref<512xi32, #tpu.memory_space<vmem>>) target_semaphore(%run_scoped3A : memref<!tpu.dma_semaphore, #tpu.memory_space<semaphore_mem>>)
        %dma_wait3A_50 = tpu.memref_slice %arg2[%select_n3A, %mul3A_41] : memref<200x4096xi32, #tpu.memory_space<hbm>> -> memref<1x512xi32, #tpu.memory_space<hbm>>
        %dma_wait3A_51 = tpu.memref_squeeze %dma_wait3A_50 : memref<1x512xi32, #tpu.memory_space<hbm>> -> memref<512xi32, #tpu.memory_space<hbm>>
        %dma_wait3A_52 = tpu.memref_slice %arg2[%select_n3A, %mul3A_41] : memref<200x4096xi32, #tpu.memory_space<hbm>> -> memref<1x512xi32, #tpu.memory_space<hbm>>
        %dma_wait3A_53 = tpu.memref_squeeze %dma_wait3A_52 : memref<1x512xi32, #tpu.memory_space<hbm>> -> memref<512xi32, #tpu.memory_space<hbm>>
        tpu.wait_dma2 semaphore(%run_scoped3A : memref<!tpu.dma_semaphore, #tpu.memory_space<semaphore_mem>>) src(%dma_wait3A_53 : memref<512xi32, #tpu.memory_space<hbm>>) dst(%arg5 : memref<512xi32, #tpu.memory_space<vmem>>)
        tpu.yield
      }) : () -> ()
      %dma_start3A = arith.constant 0 : i32
      %dma_start3A_42 = arith.constant 0 : i32
      %dma_start3A_43 = tpu.memref_slice %arg3[%dma_start3A, %dma_start3A_42] : memref<1000000x32xf32, #tpu.memory_space<hbm>> -> memref<1000000x32xf32, #tpu.memory_space<hbm>>
      tpu.enqueue_indirect_dma source(%dma_start3A_43 : memref<1000000x32xf32, #tpu.memory_space<hbm>>) target(%arg6 : memref<512x32xf32, #tpu.memory_space<vmem>>) offsets(%arg5 : memref<512xi32, #tpu.memory_space<vmem>>) semaphore(%arg7 : memref<!tpu.dma_semaphore, #tpu.memory_space<semaphore_mem>>)
      %dma_wait3A = arith.constant 0 : i32
      %dma_wait3A_44 = arith.constant 0 : i32
      %dma_wait3A_45 = tpu.memref_slice %arg3[%dma_wait3A, %dma_wait3A_44] : memref<1000000x32xf32, #tpu.memory_space<hbm>> -> memref<1000000x32xf32, #tpu.memory_space<hbm>>
      tpu.wait_indirect_dma semaphore(%arg7 : memref<!tpu.dma_semaphore, #tpu.memory_space<semaphore_mem>>) src(%dma_wait3A_45 : memref<1000000x32xf32, #tpu.memory_space<hbm>>) dst(%arg6 : memref<512x32xf32, #tpu.memory_space<vmem>>)
      "tpu.region"() ({
        %run_scoped3A = tpu.sem_alloc : memref<!tpu.dma_semaphore, #tpu.memory_space<semaphore_mem>>
        %dma_start3A_46 = arith.constant 0 : i32
        %dma_start3A_47 = tpu.memref_slice %arg4[%mul3A_41, %select_n3A, %dma_start3A_46] : memref<4096x200x32xf32, #tpu.memory_space<hbm>> -> memref<512x1x32xf32, #tpu.memory_space<hbm>>
        %dma_start3A_48 = tpu.memref_squeeze %dma_start3A_47 : memref<512x1x32xf32, #tpu.memory_space<hbm>> -> memref<512x32xf32, #tpu.memory_space<hbm>>
        %dma_start3A_49 = arith.constant 0 : i32
        %dma_start3A_50 = tpu.memref_slice %arg4[%mul3A_41, %select_n3A, %dma_start3A_49] : memref<4096x200x32xf32, #tpu.memory_space<hbm>> -> memref<512x1x32xf32, #tpu.memory_space<hbm>>
        %dma_start3A_51 = tpu.memref_squeeze %dma_start3A_50 : memref<512x1x32xf32, #tpu.memory_space<hbm>> -> memref<512x32xf32, #tpu.memory_space<hbm>>
        tpu.enqueue_dma source(%arg6 : memref<512x32xf32, #tpu.memory_space<vmem>>) target(%dma_start3A_51 : memref<512x32xf32, #tpu.memory_space<hbm>>) target_semaphore(%run_scoped3A : memref<!tpu.dma_semaphore, #tpu.memory_space<semaphore_mem>>)
        %dma_wait3A_52 = arith.constant 0 : i32
        %dma_wait3A_53 = tpu.memref_slice %arg4[%mul3A_41, %select_n3A, %dma_wait3A_52] : memref<4096x200x32xf32, #tpu.memory_space<hbm>> -> memref<512x1x32xf32, #tpu.memory_space<hbm>>
        %dma_wait3A_54 = tpu.memref_squeeze %dma_wait3A_53 : memref<512x1x32xf32, #tpu.memory_space<hbm>> -> memref<512x32xf32, #tpu.memory_space<hbm>>
        %dma_wait3A_55 = arith.constant 0 : i32
        %dma_wait3A_56 = tpu.memref_slice %arg4[%mul3A_41, %select_n3A, %dma_wait3A_55] : memref<4096x200x32xf32, #tpu.memory_space<hbm>> -> memref<512x1x32xf32, #tpu.memory_space<hbm>>
        %dma_wait3A_57 = tpu.memref_squeeze %dma_wait3A_56 : memref<512x1x32xf32, #tpu.memory_space<hbm>> -> memref<512x32xf32, #tpu.memory_space<hbm>>
        tpu.wait_dma2 semaphore(%run_scoped3A : memref<!tpu.dma_semaphore, #tpu.memory_space<semaphore_mem>>) src(%arg6 : memref<512x32xf32, #tpu.memory_space<vmem>>) dst(%dma_wait3A_57 : memref<512x32xf32, #tpu.memory_space<hbm>>)
        tpu.yield
      }) : () -> ()
    }
    %scan3A_5 = arith.constant 50 : i32
    return
  }
}

module attributes {stable_mosaic.version = 14 : i64} {
  func.func @_tc_body(%arg0: i32, %arg1: memref<6400x128xf32, #tpu.memory_space<vmem>>, %arg2: memref<128x200xf32, #tpu.memory_space<vmem>>, %arg3: memref<1x200xf32, #tpu.memory_space<vmem>>, %arg4: memref<50x200x128xf32, #tpu.memory_space<vmem>>) attributes {dimension_semantics = [#tpu.dimension_semantics<arbitrary>], iteration_bounds = array<i64: 32>, scalar_prefetch = 0 : i64, scratch_operands = 0 : i64, tpu.core_type = #tpu.core_type<tc>, window_params = [{transform_indices = @transform_0, window_bounds = array<i64: 6400, 128>}, {pipeline_mode = #tpu.pipeline_mode<synchronous>, transform_indices = @transform_1, window_bounds = array<i64: 128, 200>}, {pipeline_mode = #tpu.pipeline_mode<synchronous>, transform_indices = @transform_2, window_bounds = array<i64: 1, 200>}, {transform_indices = @transform_3, window_bounds = array<i64: 50, 200, 128>}]} {
    %get3A = arith.constant 0 : index
    %get3A_0 = arith.constant 0 : index
    %get3A_1 = vector.load %arg1[%get3A, %get3A_0] : memref<6400x128xf32, #tpu.memory_space<vmem>>, vector<6400x128xf32>
    %get3A_2 = arith.constant 0 : index
    %get3A_3 = arith.constant 0 : index
    %get3A_4 = vector.load %arg2[%get3A_2, %get3A_3] : memref<128x200xf32, #tpu.memory_space<vmem>>, vector<128x200xf32>
    %dot_general3A = arith.constant dense<0.000000e+00> : vector<6400x200xf32>
    %dot_general3A_5 = tpu.matmul %get3A_1, %get3A_4, %dot_general3A {dimension_numbers = #tpu.dot_dimension_numbers<[1], [0], [0], [1], [0, 0, 1, 1], [], []>, transpose_lhs_hint = false} : vector<6400x128xf32>, vector<128x200xf32>, vector<6400x200xf32> -> vector<6400x200xf32>
    %get3A_6 = arith.constant 0 : index
    %get3A_7 = arith.constant 0 : index
    %get3A_8 = vector.load %arg3[%get3A_6, %get3A_7] : memref<1x200xf32, #tpu.memory_space<vmem>>, vector<1x200xf32>
    %add3A = vector.broadcast %get3A_8 : vector<1x200xf32> to vector<6400x200xf32>
    %add3A_9 = arith.addf %dot_general3A_5, %add3A : vector<6400x200xf32>
    %reshape3A = vector.shape_cast %add3A_9 : vector<6400x200xf32> to vector<128x50x200xf32>
    %transpose3A = tpu.transpose %reshape3A, [2, 1, 0] : vector<128x50x200xf32> -> vector<200x50x128xf32>
    %reshape3A_10 = vector.shape_cast %transpose3A : vector<200x50x128xf32> to vector<4x50x50x128xf32>
    %transpose3A_11 = tpu.transpose %reshape3A_10, [1, 2, 0, 3] : vector<4x50x50x128xf32> -> vector<50x50x4x128xf32>
    %reshape3A_12 = vector.shape_cast %transpose3A_11 : vector<50x50x4x128xf32> to vector<50x200x128xf32>
    %exp3A = math.exp %reshape3A_12 : vector<50x200x128xf32>
    %reduce_sum3A = arith.constant dense<0.000000e+00> : vector<50x128xf32>
    %reduce_sum3A_13 = vector.multi_reduction <add>, %exp3A, %reduce_sum3A [1] : vector<50x200x128xf32> to vector<50x128xf32>
    %broadcast_in_dim3A = vector.shape_cast %reduce_sum3A_13 : vector<50x128xf32> to vector<50x1x128xf32>
    %div3A = arith.constant 1.000000e+00 : f32
    %div3A_14 = vector.broadcast %div3A : f32 to vector<50x1x128xf32>
    %div3A_15 = arith.divf %div3A_14, %broadcast_in_dim3A : vector<50x1x128xf32>
    %mul3A = vector.broadcast %div3A_15 : vector<50x1x128xf32> to vector<50x200x128xf32>
    %mul3A_16 = arith.mulf %exp3A, %mul3A : vector<50x200x128xf32>
    %swap3A = arith.constant 0 : index
    %swap3A_17 = arith.constant 0 : index
    %swap3A_18 = arith.constant 0 : index
    %swap3A_19 = vector.load %arg4[%swap3A, %swap3A_17, %swap3A_18] : memref<50x200x128xf32, #tpu.memory_space<vmem>>, vector<50x200x128xf32>
    tpu.vector_store %arg4[%swap3A, %swap3A_17, %swap3A_18], %mul3A_16 {strides = array<i32>} : memref<50x200x128xf32, #tpu.memory_space<vmem>>, vector<50x200x128xf32>,
    return
  }
  func.func @transform_0(%arg0: i32) -> (i32, i32) {
    %c0_i32 = arith.constant 0 : i32
    %c0_i32_0 = arith.constant 0 : i32
    return %arg0, %c0_i32 : i32, i32
  }
  func.func @transform_1(%arg0: i32) -> (i32, i32) {
    %c0_i32 = arith.constant 0 : i32
    %c0_i32_0 = arith.constant 0 : i32
    %c0_i32_1 = arith.constant 0 : i32
    return %c0_i32, %c0_i32_0 : i32, i32
  }
  func.func @transform_2(%arg0: i32) -> (i32, i32) {
    %c0_i32 = arith.constant 0 : i32
    %c0_i32_0 = arith.constant 0 : i32
    %c0_i32_1 = arith.constant 0 : i32
    return %c0_i32, %c0_i32_0 : i32, i32
  }
  func.func @transform_3(%arg0: i32) -> (i32, i32, i32) {
    %c0_i32 = arith.constant 0 : i32
    %c0_i32_0 = arith.constant 0 : i32
    %c0_i32_1 = arith.constant 0 : i32
    return %c0_i32, %c0_i32_0, %arg0 : i32, i32, i32
  }
}

</mosaic_0001>

<sc_bundles>
// kernel: kernel.4.cloned.1.call-start
scs
__scs_entry_jumppad:
0x0: {  	(pc) =	sbr.rel $0x88, $3  }
0x1: {  	(tag) =	ssettag $0x0;
	lr =	simm.s32 $0x1  }
0x2: {  	[smem:$0x3F9D] =	sst lr;
	_ =	strace $0xD0000000  }
0x3: {  	_ = 	snop  }
0x4: {  	_ = 	snop  }
0x5: {  	_ = 	snop  }
0x6: {  	_ = 	snop  }
0x7: {  	_ = 	snop  }
__scs_overlays_trampoline_lowered:
0x8: {  	[smem:$0x3FAC] =	sst s0  }
0x9: {  	[smem:$0x3FAD] =	sst s1  }
0xa: {  	[smem:$0x3FAE] =	sst s2  }
0xb: {  	[smem:$0x3FAF] =	sst s3  }
0xc: {  	[smem:$0x3FB0] =	sst s4  }
0xd: {  	[smem:$0x3FB1] =	sst s5  }
0xe: {  	[smem:$0x3FB2] =	sst s6  }
0xf: {  	[smem:$0x3FB3] =	sst s7  }
0x10: {  	[smem:$0x3FB4] =	sst s8  }
0x11: {  	[smem:$0x3FB5] =	sst s9;
	s0 =	simm.s32 @!p0 $0x0  }
0x12: {  	s1 =	sld [smem:$0x3F9B];
	s0 =	simm.s32 @p0 $0x1  }
0x13: {  	[smem:$0x3FB6] =	sst s0;
	s0 =	simm.s32 @!p1 $0x0  }
0x14: {  	s2 =	sld [smem:$0x3F9A];
	s0 =	simm.s32 @p1 $0x1  }
0x15: {  	[smem:$0x3FB7] =	sst s0;
	s0 =	simm.s32 @!p2 $0x0  }
0x16: {  	s3 =	sld [smem:$0x3FDB];
	s0 =	simm.s32 @p2 $0x1  }
0x17: {  	s4 =	simm.s32 $0x1BF5;
	[smem:$0x3FB9] =	sst s0  }
0x18: {  	s0 =	sld [smem:$0x3F9C];
	_ =	swait.ge [sflag:s4], $0x0  }
0x19: {  	s7 =	sld [smem:$0x3F9D]  }
0x1a: {  	s8 =	sadd.s32 $0xFFFFE003, lr  }
0x1b: {  	s9 =	sadd.s32 $0xFFFFFEF7, lr;
	s5 =	simm.s32 $0xFFFFFFFF;
	p2 =	slt.u32 s8, $0xFFFFF086  }
0x1c: {  	p1 =	slt.u32 s9, $0xF7A;
	s5 =	simm.s32 @!p2 $0x0  }
0x1d: {  	s5 =	simm.s32 @p1 $0x1;
	p0 =	seq.s32 s7, s2  }
0x1e: {  	s7 =	smul.u32 @!p0 $0xF7A, s2;
	p2 =	seq.s32 @!p0 s5, $0x0  }
0x1f: {  	s9 =	smul.u32 $0xF7A, s1;
	s8 =	simm.s32 @!p0 $0x1BF5;
	p2 =	por !p2, p0  }
0x20: {  	[sflag:s8] =	ssyncset.s32 @!p0 $0xFFFFF086;
	s6 =	sadd.s32 @!p0 s3, s7;
	s7 =	simm.s32 @!p0 $0x108  }
0x21: {  	s3 =	sadd.s32 s3, s9;
	s6 =	sadd.s32 @!p0 $0x88, s6;
	s7 =	simm.s32 @p2 $0x1082  }
0x22: {  	[simem:s7], [sflag:s8] =	dma.local @!p0 [hbm:s6], $0xF7A  }
0x23: {  	s9 =	sor.u32 $0xD0000000, s2;
	s6 =	simm.s32 $0x108;
	_ =	swait.ge @!p0 [sflag:s8], $0x0  }
0x24: {  	s3 =	sadd.s32 $0x88, s3;
	s6 =	simm.s32 @!p1 $0x1082;
	[sflag:s4] =	ssyncset.s32 $0xFFFFF086  }
0x25: {  	[simem:s6], [sflag:s4] =	dma.local [hbm:s3], $0xF7A  }
0x26: {  	[smem:$0x3F9D] =	sst s1;
	(tag) =	ssettag s2;
	_ =	strace s9  }
0x27: {  	s1 =	sld [smem:$0x3FAD]  }
0x28: {  	s2 =	sld [smem:$0x3FAE]  }
0x29: {  	s4 =	sld [smem:$0x3FB0]  }
0x2a: {  	p0 =	seq.s32 s5, $0x0;
	s5 =	sld [smem:$0x3FB1]  }
0x2b: {  	s6 =	sld [smem:$0x3FB2]  }
0x2c: {  	s7 =	sld [smem:$0x3FB3]  }
0x2d: {  	s3 =	simm.s32 $0x108;
	s8 =	sld [smem:$0x3FB4]  }
0x2e: {  	s3 =	simm.s32 @!p0 $0x1082;
	s9 =	sld [smem:$0x3FB5]  }
0x2f: {  	lr =	sadd.s32 s0, s3;
	s0 =	sld [smem:$0x3FAC]  }
0x30: {  	s3 =	sld [smem:$0x3FAF]  }
0x31: {  	[smem:$0x3FB8] =	sst s10  }
0x32: {  	s10 =	sld [smem:$0x3FB6];
	_ =	sdelay $0x3  }
0x33: {  	p0 =	seq.s32 s10, $0x1;
	s10 =	sld [smem:$0x3FB8];
	_ =	sdelay $0x3  }
0x34: {  	[smem:$0x3FB8] =	sst s10  }
0x35: {  	s10 =	sld [smem:$0x3FB7];
	_ =	sdelay $0x3  }
0x36: {  	p1 =	seq.s32 s10, $0x1;
	s10 =	sld [smem:$0x3FB8];
	_ =	sdelay $0x3  }
0x37: {  	[smem:$0x3FB8] =	sst s10  }
0x38: {  	s10 =	sld [smem:$0x3FB9]  }
0x39: {  	_ = 	snop;
	(pc) =	sbr.ind lr, $3  }
0x3a: {  	_ = 	snop  }
0x3b: {  	_ = 	snop  }
0x3c: {  	p2 =	seq.s32 s10, $0x1;
	s10 =	sld [smem:$0x3FB8]  }
0x3d: {  	_ =	shalt  }
0x3e: {  	_ =	shalt  }
0x3f: {  	_ =	shalt  }
0x40: {  	_ =	shalt  }
0x41: {  	_ =	shalt  }
0x42: {  	_ =	shalt  }
0x43: {  	_ =	shalt  }
0x44: {  	_ =	shalt  }
0x45: {  	_ =	shalt  }
0x46: {  	_ =	shalt  }
0x47: {  	_ =	shalt  }
0x48: {  	_ =	shalt  }
0x49: {  	_ =	shalt  }
0x4a: {  	_ =	shalt  }
0x4b: {  	_ =	shalt  }
0x4c: {  	_ =	shalt  }
0x4d: {  	_ =	shalt  }
0x4e: {  	_ =	shalt  }
0x4f: {  	_ =	shalt  }
0x50: {  	_ =	shalt  }
0x51: {  	_ =	shalt  }
0x52: {  	_ =	shalt  }
0x53: {  	_ =	shalt  }
0x54: {  	_ =	shalt  }
0x55: {  	_ =	shalt  }
0x56: {  	_ =	shalt  }
0x57: {  	_ =	shalt  }
0x58: {  	_ =	shalt  }
0x59: {  	_ =	shalt  }
0x5a: {  	_ =	shalt  }
0x5b: {  	_ =	shalt  }
0x5c: {  	_ =	shalt  }
0x5d: {  	_ =	shalt  }
0x5e: {  	_ =	shalt  }
0x5f: {  	_ =	shalt  }
0x60: {  	_ =	shalt  }
0x61: {  	_ =	shalt  }
0x62: {  	_ =	shalt  }
0x63: {  	_ =	shalt  }
0x64: {  	_ =	shalt  }
0x65: {  	_ =	shalt  }
0x66: {  	_ =	shalt  }
0x67: {  	_ =	shalt  }
0x68: {  	_ =	shalt  }
0x69: {  	_ =	shalt  }
0x6a: {  	_ =	shalt  }
0x6b: {  	_ =	shalt  }
0x6c: {  	_ =	shalt  }
0x6d: {  	_ =	shalt  }
0x6e: {  	_ =	shalt  }
0x6f: {  	_ =	shalt  }
0x70: {  	_ =	shalt  }
0x71: {  	_ =	shalt  }
0x72: {  	_ =	shalt  }
0x73: {  	_ =	shalt  }
0x74: {  	_ =	shalt  }
0x75: {  	_ =	shalt  }
0x76: {  	_ =	shalt  }
0x77: {  	_ =	shalt  }
0x78: {  	_ =	shalt  }
0x79: {  	_ =	shalt  }
0x7a: {  	_ =	shalt  }
0x7b: {  	_ =	shalt  }
0x7c: {  	_ =	shalt  }
0x7d: {  	_ =	shalt  }
0x7e: {  	_ =	shalt  }
0x7f: {  	_ =	shalt  }
0x80: {  	_ =	shalt  }
0x81: {  	_ =	shalt  }
0x82: {  	_ =	shalt  }
0x83: {  	_ =	shalt  }
0x84: {  	_ =	shalt  }
0x85: {  	_ =	shalt  }
0x86: {  	_ =	shalt  }
0x87: {  	_ =	shalt  }
.Lfunc_end0:
.L_simem_size_0:
called_computation_lowered:
.L_overlay_start_0:
0x88: {  	s2 =	sld [smem:$0x3FD9]  }
0x89: {  	s3 =	sld [smem:$0x3FFE];
	_ =	sdelay $0x1  }
0x8a: {  	s1 =	srdreg.scid  }
0x8b: {  	s0 =	sand.u32 $0x1, s1  }
0x8c: {  	s17 =	sshll.u32 s0, $0xA;
	s2 =	sadd.s32 s3, s2  }
0x8d: {  	s2 =	sadd.s32 s2, s17  }
0x8e: {  	[smem:$0x3FC4] =	sst s2  }
0x8f: {  	_ = 	snop  }
0x90: {  	s2 =	sld [smem:$0x3FD0];
	(tm) =	ssettm $0x1  }
0x91: {  	s18 =	sld [smem:$0x3FFB];
	_ =	sdelay $0x3  }
0x92: {  	_ =	strace s18  }
0x93: {  	s3 =	sld [smem:$0x3FFC];
	_ =	sdelay $0x3  }
0x94: {  	_ =	strace s3  }
0x95: {  	s3 =	sld [smem:$0x3FFD];
	_ =	sdelay $0x3  }
0x96: {  	_ =	strace s3  }
0x97: {  	_ =	strace $0x8FFFFFFF  }
0x98: {  	s19 =	sld [smem:$0x3FDB];
	_ =	sdelay $0x1  }
0x99: {  	s4 =	simm.s32 $_scs_section_size  }
0x9a: {  	s5 =	simm.s32 $_size__tile_overlayer_lowered;
	s6 =	simm.s32 $_tile_overlayer_lowered  }
0x9b: {  	s22 =	simm.s32 $0x1BFF;
	s21 =	sshll.u32 s6, $0x1;
	s3 =	sadd.s32 s4, s19  }
0x9c: {  	s7 =	simm.s32 $0x0;
	s20 =	sshll.u32 s5, $0x1;
	s5 =	sadd.s32 s21, s3  }
0x9d: {  	[timem:s7], [sflag:s22] =	dma.local [hbm:s5], s20  }
0x9e: {  	_ =	swait.ge [sflag:s22], s20  }
0x9f: {  	s4 =	ssub.s32 $0x0, s20;
	[sflag:s22] =	ssyncset.done $0x0  }
0xa0: {  	[sflag:s22] =	ssyncadd.s32 s4;
	_ =	sdelay $0x1  }
0xa1: {  	s23 =	simm.s32 $0x1B8B  }
0xa2: {  	_ =	swait.ge [sflag:s23], $0x1  }
0xa3: {  	[sflag:s23] =	ssyncset.done $0x0  }
0xa4: {  	s25 =	simm.s32 $0x1B8E;
	s24 =	sld [smem:$0x3FFE];
	[sflag:s23] =	ssyncadd.s32 $0xFFFFFFFF  }
0xa5: {  	s26 =	simm.s32 $execute0_lowered;
	[smem:$0x3FD2] =	sst s25  }
0xa6: {  	s5 =	sshll.u32 s26, $0x1;
	_ =	strace $0x80000046;
	[dreg:$0x1] =	wrdreg $0xFFFFFFFF  }
0xa7: {  	s28 =	simm.s32 $_size_execute0_lowered;
	s3 =	sadd.s32 s3, s5;
	[dreg:$0x0] =	wrdreg $0x0  }
0xa8: {  	s5 =	sshll.u32 s28, $0x1;
	[dreg:$0x2] =	wrdreg s3  }
0xa9: {  	[dreg:$0x3] =	wrdreg s5  }
0xaa: {  	[dreg:$0x4] =	wrdreg $0xC0  }
0xab: {  	_ =	task [dreg:s7], $0x5FFFF  }
0xac: {  	[dreg:$0x1] =	wrdreg $0xFFFFFFFF  }
0xad: {  	[dreg:$0x0] =	wrdreg $0x60  }
0xae: {  	[dreg:$0x2] =	wrdreg s24  }
0xaf: {  	[dreg:$0x3] =	wrdreg s2  }
0xb0: {  	[dreg:$0x4] =	wrdreg $0x9  }
0xb1: {  	_ =	task.clear_ibuf [dreg:s7], $0x5FFFF;
	_ =	strace $0x90000046  }
0xb2: {  	s29 =	simm.s32 $0x9;
	_ =	strace $0x80000048  }
0xb3: {  	_ =	swait.ge [sflag:s29], $0x1  }
0xb4: {  	[sflag:s29] =	ssyncadd.s32 $0xFFFFFFFF  }
0xb5: {  	_ =	strace $0x90000048  }
0xb6: {  	_ =	sfence  }
0xb7: {  	s30 =	sld [smem:$0x0];
	_ =	sdelay $0x2  }
0xb8: {  	s31 =	sshll.u32 s1, $0xD;
	s1 =	sshrl.u32 s1, $0x2  }
0xb9: {  	s3 =	sand.u32 $0x4000, s31;
	s1 =	sadd.s32 s1, s30  }
0xba: {  	s0 =	sor.u32 s3, s0;
	s1 =	sshll.u32 s1, $0x11  }
0xbb: {  	s0 =	sor.u32 s1, s0  }
0xbc: {  	s0 =	sadd.s32 $0x8F2B, s0  }
0xbd: {  	[sflag:s0] =	ssyncadd.remote.s32 $0x1  }
0xbe: {  	_ =	sfence.sel $0xFFFF  }
0xbf: {  	[dreg:$0x0] =	wrdreg $0xFFFFFFFF;
	(pc) =	sbr.abs _section_cstart, $3  }
0xc0: {  	[dreg:$0x1] =	wrdreg $0xFFFFFFFF  }
0xc1: {  	_ =	task.clear_ibuf [dreg:s7], $0x2FFFF;
	_ =	strace $0x9FFFFFFF  }
0xc2: {  	(tm) =	ssettm $0x7FFFFFFF  }
0xc3: {  	_ =	shalt  }
tec
execute0_lowered:
.L_overlay_start_1:
0x0: {  	(tag) =	ssettag $0x1  }
0x1: {  	s5 =	rddreg [dreg:$0x0]  }
0x2: {  	s1 =	srdreg.scid;
	s0 =	stileid.u32  }
0x3: {  	s2 =	rddreg [dreg:$0x1];
	s3 =	simm.s32 $0x0;
	s12 =	simm.s32 $0x20  }
0x4: {  	s13 =	simm.s32 $0x1900;
	s14 =	simm.s32 $0x0;
	s7 =	smul.u32 $0xC800, s0  }
0x5: {  	s4 =	sand.u32 $0x1, s1;
	s1 =	rddreg [dreg:$0x2];
	s9 =	smul.u32 $0x64, s0  }
0x6: {  	[smem:$0x7FF] =	sst s3;
	s8 =	smul.u32 $0x6400, s4;
	s6 =	ssub.s32 $0x2, s4  }
0x7: {  	_ =	strace $0x80000047;
	s11 =	smul.u32 $0x32, s4;
	s10 =	sshrl.u32 s6, $0x1  }
0x8: {  	s4 =	sadd.s32 $0xA00, s5;
	s5 =	sadd.s32 $0x19A00, s5;
	s6 =	ssub.s32 s6, s10  }
0x9: {  	s7 =	sadd.s32 s8, s7;
	s8 =	sadd.s32 s11, s9;
	s9 =	simm.s32 $0x2  }
0xa: {  	s10 =	simm.s32 $0x200;
	s11 =	simm.s32 $0x1;
	s6 =	smax.u32 s6, $0x1  }
.LBB2_1:
0xb: {  	s15 =	sadd.s32 $0x0, s8  }
0xc: {  	s15 =	sshrl.u32 s15, $0x3  }
0xd: {  	s17 =	sand.u32 $0xE00, s7;
	s16 =	sshll.u32 s15, $0xC  }
0xe: {  	s16 =	sor.u32 s17, s16  }
0xf: {  	s16 =	sshrl.u32 s16, $0x3  }
0x10: {  	s16 =	sadd.s32 s4, s16  }
0x11: {  	[tilespmem:s3], [sflag:$0x2] =	stream.linear.gather [hbm4b:s16+s3], $0x200, $0x38;
	[tilespmem:$0x4200] =	vst v63  }
0x12: {  	s31 =	sadd.s32 $0x1, s8;
	s18 =	smul.u32 $0x1900, s17;
	_ =	swait.ge [sflag:s9], $0x200  }
0x13: {  	s15 =	sshll.u32 s15, $0x5;
	s17 =	simm.s32 $0x2;
	[sflag:s9] =	ssyncset.done $0x0  }
0x14: {  	s18 =	sadd.s32 s15, s18;
	s15 =	sadd.s32 $0x200, s7;
	[sflag:s9] =	ssyncadd.s32 $0xFFFFFE00  }
0x15: {  	[tilespmem:s10], [sflag:$0x1] =	stream.indirect.gather [hbm4b:s2+s10], $0x20, s3, s10, $0xb8;
	[tilespmem:$0x4200] =	vst v63  }
0x16: {  	s20 =	sshrl.u32 s18, $0x3;
	s16 =	sshrl.u32 s31, $0x3;
	_ =	swait.ge [sflag:s11], $0x4000  }
0x17: {  	s18 =	sand.u32 $0xE00, s15;
	s19 =	sshll.u32 s16, $0xC;
	[sflag:s11] =	ssyncset.done $0x0  }
0x18: {  	s20 =	sadd.s32 s5, s20;
	s19 =	sor.u32 s18, s19;
	[sflag:s11] =	ssyncadd.s32 $0xFFFFC000  }
.LBB2_2:
0x19: {  	s19 =	sshrl.u32 s19, $0x3  }
0x1a: {  	s18 =	smul.u32 $0x1900, s18;
	s16 =	sshll.u32 s16, $0x5;
	s21 =	smov.u32 s17  }
0x1b: {  	[hbm4b:s20+s12] =	stream.strided.scatter [tilespmem:s10], [sflag:$0x2], $0x4000, s13, s12, $0x38;
	[tilespmem:$0x4200] =	vst v63  }
0x1c: {  	s22 =	sadd.s32 $0x1, s17;
	s18 =	sadd.s32 s16, s18;
	_ =	swait.ge [sflag:s9], $0x4000  }
0x1d: {  	p0 =	sne.s32 s17, $0x31;
	[sflag:s9] =	ssyncset.done $0x0  }
0x1e: {  	s16 =	sadd.s32 s4, s19;
	[sflag:s9] =	ssyncadd.s32 $0xFFFFC000  }
0x1f: {  	[tilespmem:s3], [sflag:$0x2] =	stream.linear.gather [hbm4b:s16+s3], $0x200, $0x38;
	[tilespmem:$0x4200] =	vst v63  }
0x20: {  	_ =	swait.ge [sflag:s9], $0x200  }
0x21: {  	s15 =	sadd.s32 $0x200, s15;
	s17 =	sshrl.u32 s18, $0x3;
	[sflag:s9] =	ssyncset.done $0x0  }
.Ltmp0:
0x22: {  	s16 =	sadd.s32 s21, s8;
	[sflag:s9] =	ssyncadd.s32 $0xFFFFFE00;
	(pc) =	sbr.rel @p0 .LBB2_2-.Ltmp0, $4  }
0x23: {  	[tilespmem:s10], [sflag:$0x1] =	stream.indirect.gather [hbm4b:s2+s10], $0x20, s3, s10, $0xb8;
	[tilespmem:$0x4200] =	vst v63  }
0x24: {  	s18 =	sand.u32 $0xE00, s15;
	s16 =	sshrl.u32 s16, $0x3;
	_ =	swait.ge [sflag:s11], $0x4000  }
0x25: {  	s20 =	sadd.s32 s5, s17;
	s19 =	sshll.u32 s16, $0xC;
	[sflag:s11] =	ssyncset.done $0x0  }
0x26: {  	s17 =	smov.u32 s22;
	s19 =	sor.u32 s18, s19;
	[sflag:s11] =	ssyncadd.s32 $0xFFFFC000  }
0x27: {  	[hbm4b:s20+s12] =	stream.strided.scatter [tilespmem:s10], [sflag:$0x2], $0x4000, s13, s12, $0x38;
	[tilespmem:$0x4200] =	vst v63  }
0x28: {  	_ =	swait.ge [sflag:s9], $0x4000  }
0x29: {  	s15 =	sshrl.u32 s19, $0x3;
	[sflag:s9] =	ssyncset.done $0x0  }
0x2a: {  	s15 =	sadd.s32 s4, s15;
	[sflag:s9] =	ssyncadd.s32 $0xFFFFC000  }
0x2b: {  	[tilespmem:s3], [sflag:$0x2] =	stream.linear.gather [hbm4b:s15+s3], $0x200, $0x38;
	[tilespmem:$0x4200] =	vst v63  }
0x2c: {  	_ =	swait.ge [sflag:s9], $0x200  }
0x2d: {  	[sflag:s9] =	ssyncset.done $0x0  }
0x2e: {  	s31 =	smul.u32 $0x1900, s18;
	s16 =	sshll.u32 s16, $0x5;
	[sflag:s9] =	ssyncadd.s32 $0xFFFFFE00  }
0x2f: {  	[tilespmem:s10], [sflag:$0x1] =	stream.indirect.gather [hbm4b:s2+s10], $0x20, s3, s10, $0xb8;
	[tilespmem:$0x4200] =	vst v63  }
0x30: {  	s14 =	sadd.s32 $0x1, s14;
	s15 =	sadd.s32 s16, s31;
	_ =	swait.ge [sflag:s11], $0x4000  }
0x31: {  	p0 =	sne.s32 s14, s6;
	s15 =	sshrl.u32 s15, $0x3;
	[sflag:s11] =	ssyncset.done $0x0  }
.Ltmp1:
0x32: {  	s15 =	sadd.s32 s5, s15;
	[sflag:s11] =	ssyncadd.s32 $0xFFFFC000;
	(pc) =	sbr.rel @p0 .LBB2_1-.Ltmp1, $4  }
0x33: {  	[hbm4b:s15+s12] =	stream.strided.scatter [tilespmem:s10], [sflag:$0x2], $0x4000, s13, s12, $0x38;
	[tilespmem:$0x4200] =	vst v63  }
0x34: {  	_ =	swait.ge [sflag:s9], $0x4000  }
0x35: {  	[sflag:s9] =	ssyncset.done $0x0  }
0x36: {  	[sflag:s9] =	ssyncadd.s32 $0xFFFFC000  }
0x37: {  	_ =	sfence.sel $0x180000  }
0x38: {  	[bflag:$0x0] =	sbarrier.arrive $0xFFFF  }
0x39: {  	p0 =	sne.s32 s0, $0x0;
	_ =	strace $0x90000047  }
0x3a: {  	s0 =	sadd.s32 @!p0 $0x100000, s1;
	[bflag:$0x2] =	sbarrier.arrive $0xFFFF  }
0x3b: {  	[sflag:s0] =	ssyncadd.tile.s32 @!p0 $0x1;
	_ =	shalt  }
.Lfunc_end2:
_tile_overlayer_lowered:
.L_overlay_start_2:
0x3c: {  	(tag) =	ssettag $0x2  }
0x3d: {  	s0 =	rddreg [dreg:$0x0];
	s2 =	stileid.u32  }
0x3e: {  	s1 =	rddreg [dreg:$0x1];
	p0 =	sne.s32 s2, $0x0  }
0x3f: {  	s3 =	rddreg [dreg:$0x2];
	[bflag:$0x3] =	sbarrier.arrive $0xFFFF;
	s2 =	simm.s32 @!p0 $0x1C02  }
0x40: {  	[timem:s3], [sflag:s2] =	dma.local @!p0 [hbm:s0], s1  }
0x41: {  	s0 =	simm.s32 @!p0 $0x2  }
0x42: {  	_ =	swait.ge @!p0 [sflag:s0], s1  }
0x43: {  	s1 =	ssub.s32 @!p0 $0x0, s1;
	[sflag:s0] =	ssyncset.done @!p0 $0x0  }
0x44: {  	[sflag:s0] =	ssyncadd.s32 @!p0 s1  }
0x45: {  	[bflag:$0x3] =	sbarrier.arrive $0xFFFF  }
0x46: {  	_ =	shalt  }

</sc_bundles>
